<compile_context>
chip_gen: v7x
topology: tpu7x:2x2x1
jax: 0.10.2.dev20260603
libtpu: 0.0.44.dev20260713+nightly
codegen_flags: <defaults>
</compile_context>

<pallas_src>
import functools

import jax
import jax.numpy as jnp
from jax import lax
from jax.experimental import pallas as pl
from jax.experimental.pallas import tpu as pltpu
from jax.experimental.pallas import tpu_sc as plsc

VOCAB = 100000
EMBED_DIM = 128
BATCH = 16384
HIST = 200

NUM_CORES = 2
NUM_SUBCORES = 16
LANES = 16
NUM_WORKERS = NUM_CORES * NUM_SUBCORES
ROWS_PER_WORKER = BATCH // NUM_WORKERS
RC = 32
NUM_CHUNKS = ROWS_PER_WORKER // RC
HALF = HIST // 2
D_VREGS = EMBED_DIM // LANES


def _sc_body(items_hbm, weight_hbm, out_hbm, idx_v, rows_v, out_v, sem):
    wid = lax.axis_index("s") * NUM_CORES + lax.axis_index("c")
    base = wid * ROWS_PER_WORKER
    inv_n = jnp.float32(1.0 / HIST)

    def chunk_body(c, carry):
        row0 = base + c * RC
        pltpu.sync_copy(items_hbm.at[pl.ds(row0, RC)], idx_v)

        def row_body(r, carry2):
            cp0 = pltpu.async_copy(weight_hbm.at[idx_v.at[r, 0]],
                                   rows_v.at[0], sem)
            cp1 = pltpu.async_copy(weight_hbm.at[idx_v.at[r, 1]],
                                   rows_v.at[1], sem)
            cp0.wait()
            cp1.wait()

            def red(j, acc):
                return tuple(
                    acc[h * D_VREGS + d]
                    + rows_v[h, j, pl.ds(d * LANES, LANES)]
                    for h in range(2) for d in range(D_VREGS)
                )

            acc0 = tuple(jnp.zeros((LANES,), jnp.float32)
                         for _ in range(2 * D_VREGS))
            acc = lax.fori_loop(0, HALF, red, acc0)
            for d in range(D_VREGS):
                out_v[r, pl.ds(d * LANES, LANES)] = (
                    (acc[d] + acc[D_VREGS + d]) * inv_n)
            return carry2

        lax.fori_loop(0, RC, row_body, 0)
        pltpu.sync_copy(out_v, out_hbm.at[pl.ds(row0, RC)])
        return carry

    lax.fori_loop(0, NUM_CHUNKS, chunk_body, 0)


@jax.jit
def kernel(items, weight):
    items32 = items.astype(jnp.int32).reshape(BATCH, 2, HALF)
    mesh = plsc.VectorSubcoreMesh(
        core_axis_name="c", subcore_axis_name="s",
        num_cores=NUM_CORES, num_subcores=NUM_SUBCORES)
    k = pl.kernel(
        _sc_body,
        out_type=jax.ShapeDtypeStruct((BATCH, EMBED_DIM), jnp.float32),
        mesh=mesh,
        scratch_types=[
            pltpu.VMEM((RC, 2, HALF), jnp.int32),
            pltpu.VMEM((2, HALF, EMBED_DIM), jnp.float32),
            pltpu.VMEM((RC, EMBED_DIM), jnp.float32),
            pltpu.SemaphoreType.DMA,
        ],
    )
    return k(items32, weight)

# --- scband reference (transcript-rebuilt; emitter-appended) ---
"""Pipeline reference for scband-item-embedding-26096221291062 (READ-ONLY COPY).

The authoritative reference and input builder live on the scoring server;
editing this copy changes nothing except your own understanding.
"""

import jax, jax.numpy as jnp
import numpy as np

VOCAB = 100000
EMBED_DIM = 128
BATCH = 16384
HIST = 200

def setup_inputs(seed: int = 0) -> dict:
    key = jax.random.key(seed)
    k_idx, k_w = jax.random.split(key)
    items = jax.random.randint(k_idx, (BATCH, HIST), 0, VOCAB, dtype=jnp.int64)
    # nn.Embedding weight initialized uniform(-0.1, 0.1) per init_weights
    weight = jax.random.uniform(k_w, (VOCAB, EMBED_DIM), dtype=jnp.float32, minval=-0.1, maxval=0.1)
    return {"items": items, "weight": weight}

def reference(items, weight):
    # embedding lookup: gather rows of the table
    embedding = jnp.take(weight, items, axis=0)  # [B, L, D]
    # embedding_mode == 'mean' -> torch.mean(dim=-2), flatten=True default
    embedding = jnp.mean(embedding, axis=-2)     # [B, D]
    return embedding

if __name__ == "__main__":
    import jax
    _d = setup_inputs()
    print(jax.jit(kernel)(*tuple(_d.values())))

</pallas_src>

<mosaic_0001>
#map = affine_map<(d0, d1) -> (0, 0, 0)>
#map1 = affine_map<(d0, d1) -> (0, 0)>
module attributes {stable_mosaic.version = 14 : i64} {
  func.func @_sc_body(%arg0: i32, %arg1: i32, %arg2: memref<16384x2x100xi32, #tpu.memory_space<hbm>>, %arg3: memref<100000x128xf32, #tpu.memory_space<hbm>>, %arg4: memref<16384x128xf32, #tpu.memory_space<hbm>>, %arg5: memref<32x2x100xi32, #tpu.memory_space<vmem>>, %arg6: memref<2x100x128xf32, #tpu.memory_space<vmem>>, %arg7: memref<32x128xf32, #tpu.memory_space<vmem>>, %arg8: memref<!tpu.dma_semaphore, #tpu.memory_space<semaphore_mem>>) attributes {dimension_semantics = [#tpu.dimension_semantics<core_parallel>, #tpu.dimension_semantics<subcore_parallel>], iteration_bounds = array<i64: 2, 16>, scalar_prefetch = 0 : i64, scratch_operands = 4 : i64, tpu.core_type = #tpu.core_type<sc_vector_subcore>, window_params = [{transform_indices = #map}, {transform_indices = #map1}, {transform_indices = #map1}]} {
    %mul3A = arith.constant 2 : i32
    %mul3A_0 = arith.muli %arg1, %mul3A : i32
    %add3A = arith.addi %mul3A_0, %arg0 : i32
    %mul3A_1 = arith.constant 512 : i32
    %mul3A_2 = arith.muli %add3A, %mul3A_1 : i32
    %scan3A = arith.constant 0 : i32
    %scan3A_3 = arith.constant 5.000000e-03 : f32
    %scan3A_4 = arith.constant 0 : i32
    %scan3A_5 = arith.constant 16 : i32
    %scan3A_6 = arith.addi %scan3A_4, %scan3A_5 : i32
    %scan3A_7 = arith.constant 1 : i32
    scf.for %scan3A_9 = %scan3A_4 to %scan3A_6 step %scan3A_7  : i32 {
      %mul3A_10 = arith.constant 32 : i32
      %mul3A_11 = arith.muli %scan3A_9, %mul3A_10 : i32
      %add3A_12 = arith.addi %mul3A_2, %mul3A_11 : i32
      "tpu.region"() ({
        %run_scoped3A = tpu.sem_alloc : memref<!tpu.dma_semaphore, #tpu.memory_space<semaphore_mem>>
        %dma_start3A = arith.constant 0 : i32
        %dma_start3A_19 = arith.constant 0 : i32
        %dma_start3A_20 = tpu.memref_slice %arg2[%add3A_12, %dma_start3A, %dma_start3A_19] : memref<16384x2x100xi32, #tpu.memory_space<hbm>> -> memref<32x2x100xi32, #tpu.memory_space<hbm>>
        %dma_start3A_21 = arith.constant 0 : i32
        %dma_start3A_22 = arith.constant 0 : i32
        %dma_start3A_23 = tpu.memref_slice %arg2[%add3A_12, %dma_start3A_21, %dma_start3A_22] : memref<16384x2x100xi32, #tpu.memory_space<hbm>> -> memref<32x2x100xi32, #tpu.memory_space<hbm>>
        tpu.enqueue_dma source(%dma_start3A_23 : memref<32x2x100xi32, #tpu.memory_space<hbm>>) target(%arg5 : memref<32x2x100xi32, #tpu.memory_space<vmem>>) target_semaphore(%run_scoped3A : memref<!tpu.dma_semaphore, #tpu.memory_space<semaphore_mem>>)
        %dma_wait3A = arith.constant 0 : i32
        %dma_wait3A_24 = arith.constant 0 : i32
        %dma_wait3A_25 = tpu.memref_slice %arg2[%add3A_12, %dma_wait3A, %dma_wait3A_24] : memref<16384x2x100xi32, #tpu.memory_space<hbm>> -> memref<32x2x100xi32, #tpu.memory_space<hbm>>
        %dma_wait3A_26 = arith.constant 0 : i32
        %dma_wait3A_27 = arith.constant 0 : i32
        %dma_wait3A_28 = tpu.memref_slice %arg2[%add3A_12, %dma_wait3A_26, %dma_wait3A_27] : memref<16384x2x100xi32, #tpu.memory_space<hbm>> -> memref<32x2x100xi32, #tpu.memory_space<hbm>>
        tpu.wait_dma2 semaphore(%run_scoped3A : memref<!tpu.dma_semaphore, #tpu.memory_space<semaphore_mem>>) src(%dma_wait3A_28 : memref<32x2x100xi32, #tpu.memory_space<hbm>>) dst(%arg5 : memref<32x2x100xi32, #tpu.memory_space<vmem>>)
        tpu.yield
      }) : () -> ()
      %scan3A_13 = arith.constant 0 : i32
      %scan3A_14 = arith.constant 0 : i32
      %scan3A_15 = arith.constant 32 : i32
      %scan3A_16 = arith.addi %scan3A_14, %scan3A_15 : i32
      %scan3A_17 = arith.constant 1 : i32
      scf.for %scan3A_19 = %scan3A_14 to %scan3A_16 step %scan3A_17  : i32 {
        %dma_start3A = arith.constant 0 : i32
        %dma_start3A_20 = arith.constant 0 : i32
        %dma_start3A_21 = arith.constant 0 : i32
        %dma_start3A_22 = arith.constant 0 : i32
        %dma_start3A_23 = tpu.memref_slice %arg6[%dma_start3A_20, %dma_start3A_21, %dma_start3A_22] : memref<2x100x128xf32, #tpu.memory_space<vmem>> -> memref<1x100x128xf32, #tpu.memory_space<vmem>>
        %dma_start3A_24 = tpu.memref_squeeze %dma_start3A_23 : memref<1x100x128xf32, #tpu.memory_space<vmem>> -> memref<100x128xf32, #tpu.memory_space<vmem>>
        %dma_start3A_25 = arith.constant 0 : i32
        %dma_start3A_26 = tpu.memref_slice %arg5[%scan3A_19, %dma_start3A, %dma_start3A_25] : memref<32x2x100xi32, #tpu.memory_space<vmem>> -> memref<1x1x100xi32, #tpu.memory_space<vmem>>
        %dma_start3A_27 = tpu.memref_squeeze %dma_start3A_26 : memref<1x1x100xi32, #tpu.memory_space<vmem>> -> memref<100xi32, #tpu.memory_space<vmem>>
        %dma_start3A_28 = arith.constant 0 : i32
        %dma_start3A_29 = arith.constant 0 : i32
        %dma_start3A_30 = tpu.memref_slice %arg3[%dma_start3A_28, %dma_start3A_29] : memref<100000x128xf32, #tpu.memory_space<hbm>> -> memref<100000x128xf32, #tpu.memory_space<hbm>>
        tpu.enqueue_indirect_dma source(%dma_start3A_30 : memref<100000x128xf32, #tpu.memory_space<hbm>>) target(%dma_start3A_24 : memref<100x128xf32, #tpu.memory_space<vmem>>) offsets(%dma_start3A_27 : memref<100xi32, #tpu.memory_space<vmem>>) semaphore(%arg8 : memref<!tpu.dma_semaphore, #tpu.memory_space<semaphore_mem>>)
        %dma_start3A_31 = arith.constant 1 : i32
        %dma_start3A_32 = arith.constant 1 : i32
        %dma_start3A_33 = arith.constant 0 : i32
        %dma_start3A_34 = arith.constant 0 : i32
        %dma_start3A_35 = tpu.memref_slice %arg6[%dma_start3A_32, %dma_start3A_33, %dma_start3A_34] : memref<2x100x128xf32, #tpu.memory_space<vmem>> -> memref<1x100x128xf32, #tpu.memory_space<vmem>>
        %dma_start3A_36 = tpu.memref_squeeze %dma_start3A_35 : memref<1x100x128xf32, #tpu.memory_space<vmem>> -> memref<100x128xf32, #tpu.memory_space<vmem>>
        %dma_start3A_37 = arith.constant 0 : i32
        %dma_start3A_38 = tpu.memref_slice %arg5[%scan3A_19, %dma_start3A_31, %dma_start3A_37] : memref<32x2x100xi32, #tpu.memory_space<vmem>> -> memref<1x1x100xi32, #tpu.memory_space<vmem>>
        %dma_start3A_39 = tpu.memref_squeeze %dma_start3A_38 : memref<1x1x100xi32, #tpu.memory_space<vmem>> -> memref<100xi32, #tpu.memory_space<vmem>>
        %dma_start3A_40 = arith.constant 0 : i32
        %dma_start3A_41 = arith.constant 0 : i32
        %dma_start3A_42 = tpu.memref_slice %arg3[%dma_start3A_40, %dma_start3A_41] : memref<100000x128xf32, #tpu.memory_space<hbm>> -> memref<100000x128xf32, #tpu.memory_space<hbm>>
        tpu.enqueue_indirect_dma source(%dma_start3A_42 : memref<100000x128xf32, #tpu.memory_space<hbm>>) target(%dma_start3A_36 : memref<100x128xf32, #tpu.memory_space<vmem>>) offsets(%dma_start3A_39 : memref<100xi32, #tpu.memory_space<vmem>>) semaphore(%arg8 : memref<!tpu.dma_semaphore, #tpu.memory_space<semaphore_mem>>)
        %dma_wait3A = arith.constant 0 : i32
        %dma_wait3A_43 = arith.constant 0 : i32
        %dma_wait3A_44 = arith.constant 0 : i32
        %dma_wait3A_45 = arith.constant 0 : i32
        %dma_wait3A_46 = tpu.memref_slice %arg6[%dma_wait3A_43, %dma_wait3A_44, %dma_wait3A_45] : memref<2x100x128xf32, #tpu.memory_space<vmem>> -> memref<1x100x128xf32, #tpu.memory_space<vmem>>
        %dma_wait3A_47 = tpu.memref_squeeze %dma_wait3A_46 : memref<1x100x128xf32, #tpu.memory_space<vmem>> -> memref<100x128xf32, #tpu.memory_space<vmem>>
        %dma_wait3A_48 = arith.constant 0 : i32
        %dma_wait3A_49 = tpu.memref_slice %arg5[%scan3A_19, %dma_wait3A, %dma_wait3A_48] : memref<32x2x100xi32, #tpu.memory_space<vmem>> -> memref<1x1x100xi32, #tpu.memory_space<vmem>>
        %dma_wait3A_50 = tpu.memref_squeeze %dma_wait3A_49 : memref<1x1x100xi32, #tpu.memory_space<vmem>> -> memref<100xi32, #tpu.memory_space<vmem>>
        %dma_wait3A_51 = arith.constant 0 : i32
        %dma_wait3A_52 = arith.constant 0 : i32
        %dma_wait3A_53 = tpu.memref_slice %arg3[%dma_wait3A_51, %dma_wait3A_52] : memref<100000x128xf32, #tpu.memory_space<hbm>> -> memref<100000x128xf32, #tpu.memory_space<hbm>>
        tpu.wait_indirect_dma semaphore(%arg8 : memref<!tpu.dma_semaphore, #tpu.memory_space<semaphore_mem>>) src(%dma_wait3A_53 : memref<100000x128xf32, #tpu.memory_space<hbm>>) dst(%dma_wait3A_47 : memref<100x128xf32, #tpu.memory_space<vmem>>)
        %dma_wait3A_54 = arith.constant 1 : i32
        %dma_wait3A_55 = arith.constant 1 : i32
        %dma_wait3A_56 = arith.constant 0 : i32
        %dma_wait3A_57 = arith.constant 0 : i32
        %dma_wait3A_58 = tpu.memref_slice %arg6[%dma_wait3A_55, %dma_wait3A_56, %dma_wait3A_57] : memref<2x100x128xf32, #tpu.memory_space<vmem>> -> memref<1x100x128xf32, #tpu.memory_space<vmem>>
        %dma_wait3A_59 = tpu.memref_squeeze %dma_wait3A_58 : memref<1x100x128xf32, #tpu.memory_space<vmem>> -> memref<100x128xf32, #tpu.memory_space<vmem>>
        %dma_wait3A_60 = arith.constant 0 : i32
        %dma_wait3A_61 = tpu.memref_slice %arg5[%scan3A_19, %dma_wait3A_54, %dma_wait3A_60] : memref<32x2x100xi32, #tpu.memory_space<vmem>> -> memref<1x1x100xi32, #tpu.memory_space<vmem>>
        %dma_wait3A_62 = tpu.memref_squeeze %dma_wait3A_61 : memref<1x1x100xi32, #tpu.memory_space<vmem>> -> memref<100xi32, #tpu.memory_space<vmem>>
        %dma_wait3A_63 = arith.constant 0 : i32
        %dma_wait3A_64 = arith.constant 0 : i32
        %dma_wait3A_65 = tpu.memref_slice %arg3[%dma_wait3A_63, %dma_wait3A_64] : memref<100000x128xf32, #tpu.memory_space<hbm>> -> memref<100000x128xf32, #tpu.memory_space<hbm>>
        tpu.wait_indirect_dma semaphore(%arg8 : memref<!tpu.dma_semaphore, #tpu.memory_space<semaphore_mem>>) src(%dma_wait3A_65 : memref<100000x128xf32, #tpu.memory_space<hbm>>) dst(%dma_wait3A_59 : memref<100x128xf32, #tpu.memory_space<vmem>>)
        %broadcast_in_dim3A = arith.constant 0.000000e+00 : f32
        %broadcast_in_dim3A_66 = vector.broadcast %broadcast_in_dim3A : f32 to vector<16xf32>
        %broadcast_in_dim3A_67 = arith.constant 0.000000e+00 : f32
        %broadcast_in_dim3A_68 = vector.broadcast %broadcast_in_dim3A_67 : f32 to vector<16xf32>
        %broadcast_in_dim3A_69 = arith.constant 0.000000e+00 : f32
        %broadcast_in_dim3A_70 = vector.broadcast %broadcast_in_dim3A_69 : f32 to vector<16xf32>
        %broadcast_in_dim3A_71 = arith.constant 0.000000e+00 : f32
        %broadcast_in_dim3A_72 = vector.broadcast %broadcast_in_dim3A_71 : f32 to vector<16xf32>
        %broadcast_in_dim3A_73 = arith.constant 0.000000e+00 : f32
        %broadcast_in_dim3A_74 = vector.broadcast %broadcast_in_dim3A_73 : f32 to vector<16xf32>
        %broadcast_in_dim3A_75 = arith.constant 0.000000e+00 : f32
        %broadcast_in_dim3A_76 = vector.broadcast %broadcast_in_dim3A_75 : f32 to vector<16xf32>
        %broadcast_in_dim3A_77 = arith.constant 0.000000e+00 : f32
        %broadcast_in_dim3A_78 = vector.broadcast %broadcast_in_dim3A_77 : f32 to vector<16xf32>
        %broadcast_in_dim3A_79 = arith.constant 0.000000e+00 : f32
        %broadcast_in_dim3A_80 = vector.broadcast %broadcast_in_dim3A_79 : f32 to vector<16xf32>
        %broadcast_in_dim3A_81 = arith.constant 0.000000e+00 : f32
        %broadcast_in_dim3A_82 = vector.broadcast %broadcast_in_dim3A_81 : f32 to vector<16xf32>
        %broadcast_in_dim3A_83 = arith.constant 0.000000e+00 : f32
        %broadcast_in_dim3A_84 = vector.broadcast %broadcast_in_dim3A_83 : f32 to vector<16xf32>
        %broadcast_in_dim3A_85 = arith.constant 0.000000e+00 : f32
        %broadcast_in_dim3A_86 = vector.broadcast %broadcast_in_dim3A_85 : f32 to vector<16xf32>
        %broadcast_in_dim3A_87 = arith.constant 0.000000e+00 : f32
        %broadcast_in_dim3A_88 = vector.broadcast %broadcast_in_dim3A_87 : f32 to vector<16xf32>
        %broadcast_in_dim3A_89 = arith.constant 0.000000e+00 : f32
        %broadcast_in_dim3A_90 = vector.broadcast %broadcast_in_dim3A_89 : f32 to vector<16xf32>
        %broadcast_in_dim3A_91 = arith.constant 0.000000e+00 : f32
        %broadcast_in_dim3A_92 = vector.broadcast %broadcast_in_dim3A_91 : f32 to vector<16xf32>
        %broadcast_in_dim3A_93 = arith.constant 0.000000e+00 : f32
        %broadcast_in_dim3A_94 = vector.broadcast %broadcast_in_dim3A_93 : f32 to vector<16xf32>
        %broadcast_in_dim3A_95 = arith.constant 0.000000e+00 : f32
        %broadcast_in_dim3A_96 = vector.broadcast %broadcast_in_dim3A_95 : f32 to vector<16xf32>
        %scan3A_97 = arith.constant 0 : i32
        %scan3A_98 = arith.constant 100 : i32
        %scan3A_99 = arith.addi %scan3A_97, %scan3A_98 : i32
        %scan3A_100 = arith.constant 1 : i32
        %scan3A_101:16 = scf.for %scan3A_166 = %scan3A_97 to %scan3A_99 step %scan3A_100 iter_args(%scan3A_167 = %broadcast_in_dim3A_66, %scan3A_168 = %broadcast_in_dim3A_68, %scan3A_169 = %broadcast_in_dim3A_70, %scan3A_170 = %broadcast_in_dim3A_72, %scan3A_171 = %broadcast_in_dim3A_74, %scan3A_172 = %broadcast_in_dim3A_76, %scan3A_173 = %broadcast_in_dim3A_78, %scan3A_174 = %broadcast_in_dim3A_80, %scan3A_175 = %broadcast_in_dim3A_82, %scan3A_176 = %broadcast_in_dim3A_84, %scan3A_177 = %broadcast_in_dim3A_86, %scan3A_178 = %broadcast_in_dim3A_88, %scan3A_179 = %broadcast_in_dim3A_90, %scan3A_180 = %broadcast_in_dim3A_92, %scan3A_181 = %broadcast_in_dim3A_94, %scan3A_182 = %broadcast_in_dim3A_96) -> (vector<16xf32>, vector<16xf32>, vector<16xf32>, vector<16xf32>, vector<16xf32>, vector<16xf32>, vector<16xf32>, vector<16xf32>, vector<16xf32>, vector<16xf32>, vector<16xf32>, vector<16xf32>, vector<16xf32>, vector<16xf32>, vector<16xf32>, vector<16xf32>)  : i32 {
          %get3A = arith.constant 0 : i32
          %get3A_183 = arith.index_cast %get3A : i32 to index
          %get3A_184 = arith.index_cast %scan3A_166 : i32 to index
          %get3A_185 = arith.constant 0 : index
          %get3A_186 = tpu.vector_load %arg6[%get3A_183, %get3A_184, %get3A_185] {strides = array<i32>} : memref<2x100x128xf32, #tpu.memory_space<vmem>>, vector<1x1x16xf32>,
          %get3A_187 = vector.shape_cast %get3A_186 : vector<1x1x16xf32> to vector<16xf32>
          %add3A_188 = arith.addf %scan3A_167, %get3A_187 : vector<16xf32>
          %get3A_189 = arith.constant 0 : i32
          %get3A_190 = arith.index_cast %get3A_189 : i32 to index
          %get3A_191 = arith.index_cast %scan3A_166 : i32 to index
          %get3A_192 = arith.constant 16 : index
          %get3A_193 = tpu.vector_load %arg6[%get3A_190, %get3A_191, %get3A_192] {strides = array<i32>} : memref<2x100x128xf32, #tpu.memory_space<vmem>>, vector<1x1x16xf32>,
          %get3A_194 = vector.shape_cast %get3A_193 : vector<1x1x16xf32> to vector<16xf32>
          %add3A_195 = arith.addf %scan3A_168, %get3A_194 : vector<16xf32>
          %get3A_196 = arith.constant 0 : i32
          %get3A_197 = arith.index_cast %get3A_196 : i32 to index
          %get3A_198 = arith.index_cast %scan3A_166 : i32 to index
          %get3A_199 = arith.constant 32 : index
          %get3A_200 = tpu.vector_load %arg6[%get3A_197, %get3A_198, %get3A_199] {strides = array<i32>} : memref<2x100x128xf32, #tpu.memory_space<vmem>>, vector<1x1x16xf32>,
          %get3A_201 = vector.shape_cast %get3A_200 : vector<1x1x16xf32> to vector<16xf32>
          %add3A_202 = arith.addf %scan3A_169, %get3A_201 : vector<16xf32>
          %get3A_203 = arith.constant 0 : i32
          %get3A_204 = arith.index_cast %get3A_203 : i32 to index
          %get3A_205 = arith.index_cast %scan3A_166 : i32 to index
          %get3A_206 = arith.constant 48 : index
          %get3A_207 = tpu.vector_load %arg6[%get3A_204, %get3A_205, %get3A_206] {strides = array<i32>} : memref<2x100x128xf32, #tpu.memory_space<vmem>>, vector<1x1x16xf32>,
          %get3A_208 = vector.shape_cast %get3A_207 : vector<1x1x16xf32> to vector<16xf32>
          %add3A_209 = arith.addf %scan3A_170, %get3A_208 : vector<16xf32>
          %get3A_210 = arith.constant 0 : i32
          %get3A_211 = arith.index_cast %get3A_210 : i32 to index
          %get3A_212 = arith.index_cast %scan3A_166 : i32 to index
          %get3A_213 = arith.constant 64 : index
          %get3A_214 = tpu.vector_load %arg6[%get3A_211, %get3A_212, %get3A_213] {strides = array<i32>} : memref<2x100x128xf32, #tpu.memory_space<vmem>>, vector<1x1x16xf32>,
          %get3A_215 = vector.shape_cast %get3A_214 : vector<1x1x16xf32> to vector<16xf32>
          %add3A_216 = arith.addf %scan3A_171, %get3A_215 : vector<16xf32>
          %get3A_217 = arith.constant 0 : i32
          %get3A_218 = arith.index_cast %get3A_217 : i32 to index
          %get3A_219 = arith.index_cast %scan3A_166 : i32 to index
          %get3A_220 = arith.constant 80 : index
          %get3A_221 = tpu.vector_load %arg6[%get3A_218, %get3A_219, %get3A_220] {strides = array<i32>} : memref<2x100x128xf32, #tpu.memory_space<vmem>>, vector<1x1x16xf32>,
          %get3A_222 = vector.shape_cast %get3A_221 : vector<1x1x16xf32> to vector<16xf32>
          %add3A_223 = arith.addf %scan3A_172, %get3A_222 : vector<16xf32>
          %get3A_224 = arith.constant 0 : i32
          %get3A_225 = arith.index_cast %get3A_224 : i32 to index
          %get3A_226 = arith.index_cast %scan3A_166 : i32 to index
          %get3A_227 = arith.constant 96 : index
          %get3A_228 = tpu.vector_load %arg6[%get3A_225, %get3A_226, %get3A_227] {strides = array<i32>} : memref<2x100x128xf32, #tpu.memory_space<vmem>>, vector<1x1x16xf32>,
          %get3A_229 = vector.shape_cast %get3A_228 : vector<1x1x16xf32> to vector<16xf32>
          %add3A_230 = arith.addf %scan3A_173, %get3A_229 : vector<16xf32>
          %get3A_231 = arith.constant 0 : i32
          %get3A_232 = arith.index_cast %get3A_231 : i32 to index
          %get3A_233 = arith.index_cast %scan3A_166 : i32 to index
          %get3A_234 = arith.constant 112 : index
          %get3A_235 = tpu.vector_load %arg6[%get3A_232, %get3A_233, %get3A_234] {strides = array<i32>} : memref<2x100x128xf32, #tpu.memory_space<vmem>>, vector<1x1x16xf32>,
          %get3A_236 = vector.shape_cast %get3A_235 : vector<1x1x16xf32> to vector<16xf32>
          %add3A_237 = arith.addf %scan3A_174, %get3A_236 : vector<16xf32>
          %get3A_238 = arith.constant 1 : i32
          %get3A_239 = arith.index_cast %get3A_238 : i32 to index
          %get3A_240 = arith.index_cast %scan3A_166 : i32 to index
          %get3A_241 = arith.constant 0 : index
          %get3A_242 = tpu.vector_load %arg6[%get3A_239, %get3A_240, %get3A_241] {strides = array<i32>} : memref<2x100x128xf32, #tpu.memory_space<vmem>>, vector<1x1x16xf32>,
          %get3A_243 = vector.shape_cast %get3A_242 : vector<1x1x16xf32> to vector<16xf32>
          %add3A_244 = arith.addf %scan3A_175, %get3A_243 : vector<16xf32>
          %get3A_245 = arith.constant 1 : i32
          %get3A_246 = arith.index_cast %get3A_245 : i32 to index
          %get3A_247 = arith.index_cast %scan3A_166 : i32 to index
          %get3A_248 = arith.constant 16 : index
          %get3A_249 = tpu.vector_load %arg6[%get3A_246, %get3A_247, %get3A_248] {strides = array<i32>} : memref<2x100x128xf32, #tpu.memory_space<vmem>>, vector<1x1x16xf32>,
          %get3A_250 = vector.shape_cast %get3A_249 : vector<1x1x16xf32> to vector<16xf32>
          %add3A_251 = arith.addf %scan3A_176, %get3A_250 : vector<16xf32>
          %get3A_252 = arith.constant 1 : i32
          %get3A_253 = arith.index_cast %get3A_252 : i32 to index
          %get3A_254 = arith.index_cast %scan3A_166 : i32 to index
          %get3A_255 = arith.constant 32 : index
          %get3A_256 = tpu.vector_load %arg6[%get3A_253, %get3A_254, %get3A_255] {strides = array<i32>} : memref<2x100x128xf32, #tpu.memory_space<vmem>>, vector<1x1x16xf32>,
          %get3A_257 = vector.shape_cast %get3A_256 : vector<1x1x16xf32> to vector<16xf32>
          %add3A_258 = arith.addf %scan3A_177, %get3A_257 : vector<16xf32>
          %get3A_259 = arith.constant 1 : i32
          %get3A_260 = arith.index_cast %get3A_259 : i32 to index
          %get3A_261 = arith.index_cast %scan3A_166 : i32 to index
          %get3A_262 = arith.constant 48 : index
          %get3A_263 = tpu.vector_load %arg6[%get3A_260, %get3A_261, %get3A_262] {strides = array<i32>} : memref<2x100x128xf32, #tpu.memory_space<vmem>>, vector<1x1x16xf32>,
          %get3A_264 = vector.shape_cast %get3A_263 : vector<1x1x16xf32> to vector<16xf32>
          %add3A_265 = arith.addf %scan3A_178, %get3A_264 : vector<16xf32>
          %get3A_266 = arith.constant 1 : i32
          %get3A_267 = arith.index_cast %get3A_266 : i32 to index
          %get3A_268 = arith.index_cast %scan3A_166 : i32 to index
          %get3A_269 = arith.constant 64 : index
          %get3A_270 = tpu.vector_load %arg6[%get3A_267, %get3A_268, %get3A_269] {strides = array<i32>} : memref<2x100x128xf32, #tpu.memory_space<vmem>>, vector<1x1x16xf32>,
          %get3A_271 = vector.shape_cast %get3A_270 : vector<1x1x16xf32> to vector<16xf32>
          %add3A_272 = arith.addf %scan3A_179, %get3A_271 : vector<16xf32>
          %get3A_273 = arith.constant 1 : i32
          %get3A_274 = arith.index_cast %get3A_273 : i32 to index
          %get3A_275 = arith.index_cast %scan3A_166 : i32 to index
          %get3A_276 = arith.constant 80 : index
          %get3A_277 = tpu.vector_load %arg6[%get3A_274, %get3A_275, %get3A_276] {strides = array<i32>} : memref<2x100x128xf32, #tpu.memory_space<vmem>>, vector<1x1x16xf32>,
          %get3A_278 = vector.shape_cast %get3A_277 : vector<1x1x16xf32> to vector<16xf32>
          %add3A_279 = arith.addf %scan3A_180, %get3A_278 : vector<16xf32>
          %get3A_280 = arith.constant 1 : i32
          %get3A_281 = arith.index_cast %get3A_280 : i32 to index
          %get3A_282 = arith.index_cast %scan3A_166 : i32 to index
          %get3A_283 = arith.constant 96 : index
          %get3A_284 = tpu.vector_load %arg6[%get3A_281, %get3A_282, %get3A_283] {strides = array<i32>} : memref<2x100x128xf32, #tpu.memory_space<vmem>>, vector<1x1x16xf32>,
          %get3A_285 = vector.shape_cast %get3A_284 : vector<1x1x16xf32> to vector<16xf32>
          %add3A_286 = arith.addf %scan3A_181, %get3A_285 : vector<16xf32>
          %get3A_287 = arith.constant 1 : i32
          %get3A_288 = arith.index_cast %get3A_287 : i32 to index
          %get3A_289 = arith.index_cast %scan3A_166 : i32 to index
          %get3A_290 = arith.constant 112 : index
          %get3A_291 = tpu.vector_load %arg6[%get3A_288, %get3A_289, %get3A_290] {strides = array<i32>} : memref<2x100x128xf32, #tpu.memory_space<vmem>>, vector<1x1x16xf32>,
          %get3A_292 = vector.shape_cast %get3A_291 : vector<1x1x16xf32> to vector<16xf32>
          %add3A_293 = arith.addf %scan3A_182, %get3A_292 : vector<16xf32>
          scf.yield %add3A_188, %add3A_195, %add3A_202, %add3A_209, %add3A_216, %add3A_223, %add3A_230, %add3A_237, %add3A_244, %add3A_251, %add3A_258, %add3A_265, %add3A_272, %add3A_279, %add3A_286, %add3A_293 : vector<16xf32>, vector<16xf32>, vector<16xf32>, vector<16xf32>, vector<16xf32>, vector<16xf32>, vector<16xf32>, vector<16xf32>, vector<16xf32>, vector<16xf32>, vector<16xf32>, vector<16xf32>, vector<16xf32>, vector<16xf32>, vector<16xf32>, vector<16xf32>
        }
        %scan3A_102 = arith.constant 100 : i32
        %add3A_103 = arith.addf %scan3A_101#0, %scan3A_101#8 : vector<16xf32>
        %mul3A_104 = vector.broadcast %scan3A_3 : f32 to vector<16xf32>
        %mul3A_105 = arith.mulf %add3A_103, %mul3A_104 : vector<16xf32>
        %swap3A = arith.index_cast %scan3A_19 : i32 to index
        %swap3A_106 = arith.constant 0 : index
        %swap3A_107 = tpu.vector_load %arg7[%swap3A, %swap3A_106] {strides = array<i32>} : memref<32x128xf32, #tpu.memory_space<vmem>>, vector<1x16xf32>,
        %swap3A_108 = vector.shape_cast %swap3A_107 : vector<1x16xf32> to vector<16xf32>
        %swap3A_109 = vector.shape_cast %mul3A_105 : vector<16xf32> to vector<1x16xf32>
        tpu.vector_store %arg7[%swap3A, %swap3A_106], %swap3A_109 {strides = array<i32>} : memref<32x128xf32, #tpu.memory_space<vmem>>, vector<1x16xf32>,
        %add3A_110 = arith.addf %scan3A_101#1, %scan3A_101#9 : vector<16xf32>
        %mul3A_111 = vector.broadcast %scan3A_3 : f32 to vector<16xf32>
        %mul3A_112 = arith.mulf %add3A_110, %mul3A_111 : vector<16xf32>
        %swap3A_113 = arith.index_cast %scan3A_19 : i32 to index
        %swap3A_114 = arith.constant 16 : index
        %swap3A_115 = tpu.vector_load %arg7[%swap3A_113, %swap3A_114] {strides = array<i32>} : memref<32x128xf32, #tpu.memory_space<vmem>>, vector<1x16xf32>,
        %swap3A_116 = vector.shape_cast %swap3A_115 : vector<1x16xf32> to vector<16xf32>
        %swap3A_117 = vector.shape_cast %mul3A_112 : vector<16xf32> to vector<1x16xf32>
        tpu.vector_store %arg7[%swap3A_113, %swap3A_114], %swap3A_117 {strides = array<i32>} : memref<32x128xf32, #tpu.memory_space<vmem>>, vector<1x16xf32>,
        %add3A_118 = arith.addf %scan3A_101#2, %scan3A_101#10 : vector<16xf32>
        %mul3A_119 = vector.broadcast %scan3A_3 : f32 to vector<16xf32>
        %mul3A_120 = arith.mulf %add3A_118, %mul3A_119 : vector<16xf32>
        %swap3A_121 = arith.index_cast %scan3A_19 : i32 to index
        %swap3A_122 = arith.constant 32 : index
        %swap3A_123 = tpu.vector_load %arg7[%swap3A_121, %swap3A_122] {strides = array<i32>} : memref<32x128xf32, #tpu.memory_space<vmem>>, vector<1x16xf32>,
        %swap3A_124 = vector.shape_cast %swap3A_123 : vector<1x16xf32> to vector<16xf32>
        %swap3A_125 = vector.shape_cast %mul3A_120 : vector<16xf32> to vector<1x16xf32>
        tpu.vector_store %arg7[%swap3A_121, %swap3A_122], %swap3A_125 {strides = array<i32>} : memref<32x128xf32, #tpu.memory_space<vmem>>, vector<1x16xf32>,
        %add3A_126 = arith.addf %scan3A_101#3, %scan3A_101#11 : vector<16xf32>
        %mul3A_127 = vector.broadcast %scan3A_3 : f32 to vector<16xf32>
        %mul3A_128 = arith.mulf %add3A_126, %mul3A_127 : vector<16xf32>
        %swap3A_129 = arith.index_cast %scan3A_19 : i32 to index
        %swap3A_130 = arith.constant 48 : index
        %swap3A_131 = tpu.vector_load %arg7[%swap3A_129, %swap3A_130] {strides = array<i32>} : memref<32x128xf32, #tpu.memory_space<vmem>>, vector<1x16xf32>,
        %swap3A_132 = vector.shape_cast %swap3A_131 : vector<1x16xf32> to vector<16xf32>
        %swap3A_133 = vector.shape_cast %mul3A_128 : vector<16xf32> to vector<1x16xf32>
        tpu.vector_store %arg7[%swap3A_129, %swap3A_130], %swap3A_133 {strides = array<i32>} : memref<32x128xf32, #tpu.memory_space<vmem>>, vector<1x16xf32>,
        %add3A_134 = arith.addf %scan3A_101#4, %scan3A_101#12 : vector<16xf32>
        %mul3A_135 = vector.broadcast %scan3A_3 : f32 to vector<16xf32>
        %mul3A_136 = arith.mulf %add3A_134, %mul3A_135 : vector<16xf32>
        %swap3A_137 = arith.index_cast %scan3A_19 : i32 to index
        %swap3A_138 = arith.constant 64 : index
        %swap3A_139 = tpu.vector_load %arg7[%swap3A_137, %swap3A_138] {strides = array<i32>} : memref<32x128xf32, #tpu.memory_space<vmem>>, vector<1x16xf32>,
        %swap3A_140 = vector.shape_cast %swap3A_139 : vector<1x16xf32> to vector<16xf32>
        %swap3A_141 = vector.shape_cast %mul3A_136 : vector<16xf32> to vector<1x16xf32>
        tpu.vector_store %arg7[%swap3A_137, %swap3A_138], %swap3A_141 {strides = array<i32>} : memref<32x128xf32, #tpu.memory_space<vmem>>, vector<1x16xf32>,
        %add3A_142 = arith.addf %scan3A_101#5, %scan3A_101#13 : vector<16xf32>
        %mul3A_143 = vector.broadcast %scan3A_3 : f32 to vector<16xf32>
        %mul3A_144 = arith.mulf %add3A_142, %mul3A_143 : vector<16xf32>
        %swap3A_145 = arith.index_cast %scan3A_19 : i32 to index
        %swap3A_146 = arith.constant 80 : index
        %swap3A_147 = tpu.vector_load %arg7[%swap3A_145, %swap3A_146] {strides = array<i32>} : memref<32x128xf32, #tpu.memory_space<vmem>>, vector<1x16xf32>,
        %swap3A_148 = vector.shape_cast %swap3A_147 : vector<1x16xf32> to vector<16xf32>
        %swap3A_149 = vector.shape_cast %mul3A_144 : vector<16xf32> to vector<1x16xf32>
        tpu.vector_store %arg7[%swap3A_145, %swap3A_146], %swap3A_149 {strides = array<i32>} : memref<32x128xf32, #tpu.memory_space<vmem>>, vector<1x16xf32>,
        %add3A_150 = arith.addf %scan3A_101#6, %scan3A_101#14 : vector<16xf32>
        %mul3A_151 = vector.broadcast %scan3A_3 : f32 to vector<16xf32>
        %mul3A_152 = arith.mulf %add3A_150, %mul3A_151 : vector<16xf32>
        %swap3A_153 = arith.index_cast %scan3A_19 : i32 to index
        %swap3A_154 = arith.constant 96 : index
        %swap3A_155 = tpu.vector_load %arg7[%swap3A_153, %swap3A_154] {strides = array<i32>} : memref<32x128xf32, #tpu.memory_space<vmem>>, vector<1x16xf32>,
        %swap3A_156 = vector.shape_cast %swap3A_155 : vector<1x16xf32> to vector<16xf32>
        %swap3A_157 = vector.shape_cast %mul3A_152 : vector<16xf32> to vector<1x16xf32>
        tpu.vector_store %arg7[%swap3A_153, %swap3A_154], %swap3A_157 {strides = array<i32>} : memref<32x128xf32, #tpu.memory_space<vmem>>, vector<1x16xf32>,
        %add3A_158 = arith.addf %scan3A_101#7, %scan3A_101#15 : vector<16xf32>
        %mul3A_159 = vector.broadcast %scan3A_3 : f32 to vector<16xf32>
        %mul3A_160 = arith.mulf %add3A_158, %mul3A_159 : vector<16xf32>
        %swap3A_161 = arith.index_cast %scan3A_19 : i32 to index
        %swap3A_162 = arith.constant 112 : index
        %swap3A_163 = tpu.vector_load %arg7[%swap3A_161, %swap3A_162] {strides = array<i32>} : memref<32x128xf32, #tpu.memory_space<vmem>>, vector<1x16xf32>,
        %swap3A_164 = vector.shape_cast %swap3A_163 : vector<1x16xf32> to vector<16xf32>
        %swap3A_165 = vector.shape_cast %mul3A_160 : vector<16xf32> to vector<1x16xf32>
        tpu.vector_store %arg7[%swap3A_161, %swap3A_162], %swap3A_165 {strides = array<i32>} : memref<32x128xf32, #tpu.memory_space<vmem>>, vector<1x16xf32>,
      }
      %scan3A_18 = arith.constant 32 : i32
      "tpu.region"() ({
        %run_scoped3A = tpu.sem_alloc : memref<!tpu.dma_semaphore, #tpu.memory_space<semaphore_mem>>
        %dma_start3A = arith.constant 0 : i32
        %dma_start3A_19 = tpu.memref_slice %arg4[%add3A_12, %dma_start3A] : memref<16384x128xf32, #tpu.memory_space<hbm>> -> memref<32x128xf32, #tpu.memory_space<hbm>>
        %dma_start3A_20 = arith.constant 0 : i32
        %dma_start3A_21 = tpu.memref_slice %arg4[%add3A_12, %dma_start3A_20] : memref<16384x128xf32, #tpu.memory_space<hbm>> -> memref<32x128xf32, #tpu.memory_space<hbm>>
        tpu.enqueue_dma source(%arg7 : memref<32x128xf32, #tpu.memory_space<vmem>>) target(%dma_start3A_21 : memref<32x128xf32, #tpu.memory_space<hbm>>) target_semaphore(%run_scoped3A : memref<!tpu.dma_semaphore, #tpu.memory_space<semaphore_mem>>)
        %dma_wait3A = arith.constant 0 : i32
        %dma_wait3A_22 = tpu.memref_slice %arg4[%add3A_12, %dma_wait3A] : memref<16384x128xf32, #tpu.memory_space<hbm>> -> memref<32x128xf32, #tpu.memory_space<hbm>>
        %dma_wait3A_23 = arith.constant 0 : i32
        %dma_wait3A_24 = tpu.memref_slice %arg4[%add3A_12, %dma_wait3A_23] : memref<16384x128xf32, #tpu.memory_space<hbm>> -> memref<32x128xf32, #tpu.memory_space<hbm>>
        tpu.wait_dma2 semaphore(%run_scoped3A : memref<!tpu.dma_semaphore, #tpu.memory_space<semaphore_mem>>) src(%arg7 : memref<32x128xf32, #tpu.memory_space<vmem>>) dst(%dma_wait3A_24 : memref<32x128xf32, #tpu.memory_space<hbm>>)
        tpu.yield
      }) : () -> ()
    }
    %scan3A_8 = arith.constant 16 : i32
    return
  }
}

</mosaic_0001>

<sc_bundles>
// kernel: kernel.3.cloned.1.call-start
scs
__scs_entry_jumppad:
0x0: {  	(pc) =	sbr.rel $0x88, $3  }
0x1: {  	(tag) =	ssettag $0x0;
	lr =	simm.s32 $0x1  }
0x2: {  	[smem:$0x3F9F] =	sst lr;
	_ =	strace $0xD0000000  }
0x3: {  	_ = 	snop  }
0x4: {  	_ = 	snop  }
0x5: {  	_ = 	snop  }
0x6: {  	_ = 	snop  }
0x7: {  	_ = 	snop  }
__scs_overlays_trampoline_lowered:
0x8: {  	[smem:$0x3FAE] =	sst s0  }
0x9: {  	[smem:$0x3FAF] =	sst s1  }
0xa: {  	[smem:$0x3FB0] =	sst s2  }
0xb: {  	[smem:$0x3FB1] =	sst s3  }
0xc: {  	[smem:$0x3FB2] =	sst s4  }
0xd: {  	[smem:$0x3FB3] =	sst s5  }
0xe: {  	[smem:$0x3FB4] =	sst s6  }
0xf: {  	[smem:$0x3FB5] =	sst s7  }
0x10: {  	[smem:$0x3FB6] =	sst s8  }
0x11: {  	[smem:$0x3FB7] =	sst s9;
	s0 =	simm.s32 @!p0 $0x0  }
0x12: {  	s1 =	sld [smem:$0x3F9D];
	s0 =	simm.s32 @p0 $0x1  }
0x13: {  	[smem:$0x3FB8] =	sst s0;
	s0 =	simm.s32 @!p1 $0x0  }
0x14: {  	s2 =	sld [smem:$0x3F9C];
	s0 =	simm.s32 @p1 $0x1  }
0x15: {  	[smem:$0x3FB9] =	sst s0;
	s0 =	simm.s32 @!p2 $0x0  }
0x16: {  	s3 =	sld [smem:$0x3FDB];
	s0 =	simm.s32 @p2 $0x1  }
0x17: {  	s4 =	simm.s32 $0x1BF5;
	[smem:$0x3FBB] =	sst s0  }
0x18: {  	s0 =	sld [smem:$0x3F9E];
	_ =	swait.ge [sflag:s4], $0x0  }
0x19: {  	s7 =	sld [smem:$0x3F9F]  }
0x1a: {  	s8 =	sadd.s32 $0xFFFFE003, lr  }
0x1b: {  	s9 =	sadd.s32 $0xFFFFFEF7, lr;
	s5 =	simm.s32 $0xFFFFFFFF;
	p2 =	slt.u32 s8, $0xFFFFF086  }
0x1c: {  	p1 =	slt.u32 s9, $0xF7A;
	s5 =	simm.s32 @!p2 $0x0  }
0x1d: {  	s5 =	simm.s32 @p1 $0x1;
	p0 =	seq.s32 s7, s2  }
0x1e: {  	s7 =	smul.u32 @!p0 $0xF7A, s2;
	p2 =	seq.s32 @!p0 s5, $0x0  }
0x1f: {  	s9 =	smul.u32 $0xF7A, s1;
	s8 =	simm.s32 @!p0 $0x1BF5;
	p2 =	por !p2, p0  }
0x20: {  	[sflag:s8] =	ssyncset.s32 @!p0 $0xFFFFF086;
	s6 =	sadd.s32 @!p0 s3, s7;
	s7 =	simm.s32 @!p0 $0x108  }
0x21: {  	s3 =	sadd.s32 s3, s9;
	s6 =	sadd.s32 @!p0 $0x88, s6;
	s7 =	simm.s32 @p2 $0x1082  }
0x22: {  	[simem:s7], [sflag:s8] =	dma.local @!p0 [hbm:s6], $0xF7A  }
0x23: {  	s9 =	sor.u32 $0xD0000000, s2;
	s6 =	simm.s32 $0x108;
	_ =	swait.ge @!p0 [sflag:s8], $0x0  }
0x24: {  	s3 =	sadd.s32 $0x88, s3;
	s6 =	simm.s32 @!p1 $0x1082;
	[sflag:s4] =	ssyncset.s32 $0xFFFFF086  }
0x25: {  	[simem:s6], [sflag:s4] =	dma.local [hbm:s3], $0xF7A  }
0x26: {  	[smem:$0x3F9F] =	sst s1;
	(tag) =	ssettag s2;
	_ =	strace s9  }
0x27: {  	s1 =	sld [smem:$0x3FAF]  }
0x28: {  	s2 =	sld [smem:$0x3FB0]  }
0x29: {  	s4 =	sld [smem:$0x3FB2]  }
0x2a: {  	p0 =	seq.s32 s5, $0x0;
	s5 =	sld [smem:$0x3FB3]  }
0x2b: {  	s6 =	sld [smem:$0x3FB4]  }
0x2c: {  	s7 =	sld [smem:$0x3FB5]  }
0x2d: {  	s3 =	simm.s32 $0x108;
	s8 =	sld [smem:$0x3FB6]  }
0x2e: {  	s3 =	simm.s32 @!p0 $0x1082;
	s9 =	sld [smem:$0x3FB7]  }
0x2f: {  	lr =	sadd.s32 s0, s3;
	s0 =	sld [smem:$0x3FAE]  }
0x30: {  	s3 =	sld [smem:$0x3FB1]  }
0x31: {  	[smem:$0x3FBA] =	sst s10  }
0x32: {  	s10 =	sld [smem:$0x3FB8];
	_ =	sdelay $0x3  }
0x33: {  	p0 =	seq.s32 s10, $0x1;
	s10 =	sld [smem:$0x3FBA];
	_ =	sdelay $0x3  }
0x34: {  	[smem:$0x3FBA] =	sst s10  }
0x35: {  	s10 =	sld [smem:$0x3FB9];
	_ =	sdelay $0x3  }
0x36: {  	p1 =	seq.s32 s10, $0x1;
	s10 =	sld [smem:$0x3FBA];
	_ =	sdelay $0x3  }
0x37: {  	[smem:$0x3FBA] =	sst s10  }
0x38: {  	s10 =	sld [smem:$0x3FBB]  }
0x39: {  	_ = 	snop;
	(pc) =	sbr.ind lr, $3  }
0x3a: {  	_ = 	snop  }
0x3b: {  	_ = 	snop  }
0x3c: {  	p2 =	seq.s32 s10, $0x1;
	s10 =	sld [smem:$0x3FBA]  }
0x3d: {  	_ =	shalt  }
0x3e: {  	_ =	shalt  }
0x3f: {  	_ =	shalt  }
0x40: {  	_ =	shalt  }
0x41: {  	_ =	shalt  }
0x42: {  	_ =	shalt  }
0x43: {  	_ =	shalt  }
0x44: {  	_ =	shalt  }
0x45: {  	_ =	shalt  }
0x46: {  	_ =	shalt  }
0x47: {  	_ =	shalt  }
0x48: {  	_ =	shalt  }
0x49: {  	_ =	shalt  }
0x4a: {  	_ =	shalt  }
0x4b: {  	_ =	shalt  }
0x4c: {  	_ =	shalt  }
0x4d: {  	_ =	shalt  }
0x4e: {  	_ =	shalt  }
0x4f: {  	_ =	shalt  }
0x50: {  	_ =	shalt  }
0x51: {  	_ =	shalt  }
0x52: {  	_ =	shalt  }
0x53: {  	_ =	shalt  }
0x54: {  	_ =	shalt  }
0x55: {  	_ =	shalt  }
0x56: {  	_ =	shalt  }
0x57: {  	_ =	shalt  }
0x58: {  	_ =	shalt  }
0x59: {  	_ =	shalt  }
0x5a: {  	_ =	shalt  }
0x5b: {  	_ =	shalt  }
0x5c: {  	_ =	shalt  }
0x5d: {  	_ =	shalt  }
0x5e: {  	_ =	shalt  }
0x5f: {  	_ =	shalt  }
0x60: {  	_ =	shalt  }
0x61: {  	_ =	shalt  }
0x62: {  	_ =	shalt  }
0x63: {  	_ =	shalt  }
0x64: {  	_ =	shalt  }
0x65: {  	_ =	shalt  }
0x66: {  	_ =	shalt  }
0x67: {  	_ =	shalt  }
0x68: {  	_ =	shalt  }
0x69: {  	_ =	shalt  }
0x6a: {  	_ =	shalt  }
0x6b: {  	_ =	shalt  }
0x6c: {  	_ =	shalt  }
0x6d: {  	_ =	shalt  }
0x6e: {  	_ =	shalt  }
0x6f: {  	_ =	shalt  }
0x70: {  	_ =	shalt  }
0x71: {  	_ =	shalt  }
0x72: {  	_ =	shalt  }
0x73: {  	_ =	shalt  }
0x74: {  	_ =	shalt  }
0x75: {  	_ =	shalt  }
0x76: {  	_ =	shalt  }
0x77: {  	_ =	shalt  }
0x78: {  	_ =	shalt  }
0x79: {  	_ =	shalt  }
0x7a: {  	_ =	shalt  }
0x7b: {  	_ =	shalt  }
0x7c: {  	_ =	shalt  }
0x7d: {  	_ =	shalt  }
0x7e: {  	_ =	shalt  }
0x7f: {  	_ =	shalt  }
0x80: {  	_ =	shalt  }
0x81: {  	_ =	shalt  }
0x82: {  	_ =	shalt  }
0x83: {  	_ =	shalt  }
0x84: {  	_ =	shalt  }
0x85: {  	_ =	shalt  }
0x86: {  	_ =	shalt  }
0x87: {  	_ =	shalt  }
.Lfunc_end0:
.L_simem_size_0:
called_computation_lowered:
.L_overlay_start_0:
0x88: {  	s2 =	sld [smem:$0x3FD9]  }
0x89: {  	s3 =	sld [smem:$0x3FFE];
	_ =	sdelay $0x1  }
0x8a: {  	s1 =	srdreg.scid  }
0x8b: {  	s0 =	sand.u32 $0x1, s1  }
0x8c: {  	s17 =	sshll.u32 s0, $0xA;
	s2 =	sadd.s32 s3, s2  }
0x8d: {  	s2 =	sadd.s32 s2, s17  }
0x8e: {  	[smem:$0x3FC6] =	sst s2  }
0x8f: {  	_ = 	snop  }
0x90: {  	s2 =	sld [smem:$0x3FC8]  }
0x91: {  	s18 =	sld [smem:$0x3FD0];
	(tm) =	ssettm $0x1  }
0x92: {  	s4 =	sld [smem:$0x3FFB];
	_ =	sdelay $0x3  }
0x93: {  	_ =	strace s4  }
0x94: {  	s4 =	sld [smem:$0x3FFC];
	_ =	sdelay $0x3  }
0x95: {  	_ =	strace s4  }
0x96: {  	s4 =	sld [smem:$0x3FFD];
	_ =	sdelay $0x3  }
0x97: {  	_ =	strace s4  }
0x98: {  	_ =	strace $0x8FFFFFFF  }
0x99: {  	s19 =	sld [smem:$0x3FDB];
	_ =	sdelay $0x1  }
0x9a: {  	s5 =	simm.s32 $_scs_section_size  }
0x9b: {  	s6 =	simm.s32 $_size__tile_overlayer_lowered;
	s7 =	simm.s32 $_tile_overlayer_lowered  }
0x9c: {  	s22 =	simm.s32 $0x1BFF;
	s21 =	sshll.u32 s7, $0x1;
	s4 =	sadd.s32 s5, s19  }
0x9d: {  	s8 =	simm.s32 $0x0;
	s20 =	sshll.u32 s6, $0x1;
	s6 =	sadd.s32 s21, s4  }
0x9e: {  	[timem:s8], [sflag:s22] =	dma.local [hbm:s6], s20  }
0x9f: {  	_ =	swait.ge [sflag:s22], s20  }
0xa0: {  	s5 =	ssub.s32 $0x0, s20;
	[sflag:s22] =	ssyncset.done $0x0  }
0xa1: {  	[sflag:s22] =	ssyncadd.s32 s5;
	_ =	sdelay $0x1  }
0xa2: {  	s23 =	simm.s32 $0x1B8B  }
0xa3: {  	_ =	swait.ge [sflag:s23], $0x1  }
0xa4: {  	[sflag:s23] =	ssyncset.done $0x0  }
0xa5: {  	s25 =	simm.s32 $0x1B8E;
	s24 =	sld [smem:$0x3FFE];
	[sflag:s23] =	ssyncadd.s32 $0xFFFFFFFF  }
0xa6: {  	s26 =	simm.s32 $execute0_lowered;
	[smem:$0x3FD2] =	sst s25  }
0xa7: {  	s6 =	sshll.u32 s26, $0x1;
	_ =	strace $0x80000046;
	[dreg:$0x1] =	wrdreg $0xFFFFFFFF  }
0xa8: {  	s28 =	simm.s32 $_size_execute0_lowered;
	s4 =	sadd.s32 s4, s6;
	[dreg:$0x0] =	wrdreg $0x0  }
0xa9: {  	s6 =	sshll.u32 s28, $0x1;
	[dreg:$0x2] =	wrdreg s4  }
0xaa: {  	[dreg:$0x3] =	wrdreg s6  }
0xab: {  	[dreg:$0x4] =	wrdreg $0xC0  }
0xac: {  	_ =	task [dreg:s8], $0x5FFFF  }
0xad: {  	[dreg:$0x1] =	wrdreg $0xFFFFFFFF  }
0xae: {  	[dreg:$0x0] =	wrdreg $0x60  }
0xaf: {  	[dreg:$0x2] =	wrdreg s24  }
0xb0: {  	[dreg:$0x3] =	wrdreg s2  }
0xb1: {  	[dreg:$0x4] =	wrdreg s18  }
0xb2: {  	[dreg:$0x5] =	wrdreg $0x9  }
0xb3: {  	_ =	task.clear_ibuf [dreg:s8], $0x6FFFF;
	_ =	strace $0x90000046  }
0xb4: {  	s29 =	simm.s32 $0x9;
	_ =	strace $0x80000048  }
0xb5: {  	_ =	swait.ge [sflag:s29], $0x1  }
0xb6: {  	[sflag:s29] =	ssyncadd.s32 $0xFFFFFFFF  }
0xb7: {  	_ =	strace $0x90000048  }
0xb8: {  	_ =	sfence  }
0xb9: {  	s30 =	sld [smem:$0x0];
	_ =	sdelay $0x2  }
0xba: {  	s31 =	sshll.u32 s1, $0xD;
	s1 =	sshrl.u32 s1, $0x2  }
0xbb: {  	s3 =	sand.u32 $0x4000, s31;
	s1 =	sadd.s32 s1, s30  }
0xbc: {  	s0 =	sor.u32 s3, s0;
	s1 =	sshll.u32 s1, $0x11  }
0xbd: {  	s0 =	sor.u32 s1, s0  }
0xbe: {  	s0 =	sadd.s32 $0x8F2B, s0  }
0xbf: {  	[sflag:s0] =	ssyncadd.remote.s32 $0x1  }
0xc0: {  	_ =	sfence.sel $0xFFFF  }
0xc1: {  	[dreg:$0x0] =	wrdreg $0xFFFFFFFF;
	(pc) =	sbr.abs _section_cstart, $3  }
0xc2: {  	[dreg:$0x1] =	wrdreg $0xFFFFFFFF  }
0xc3: {  	_ =	task.clear_ibuf [dreg:s8], $0x2FFFF;
	_ =	strace $0x9FFFFFFF  }
0xc4: {  	(tm) =	ssettm $0x7FFFFFFF  }
0xc5: {  	_ =	shalt  }
tec
execute0_lowered:
.L_overlay_start_1:
0x0: {  	(tag) =	ssettag $0x1  }
0x1: {  	s4 =	rddreg [dreg:$0x0]  }
0x2: {  	s1 =	rddreg [dreg:$0x1]  }
0x3: {  	s2 =	rddreg [dreg:$0x2]  }
0x4: {  	s0 =	rddreg [dreg:$0x3];
	s3 =	simm.s32 $0x0  }
0x5: {  	s5 =	srdreg.scid;
	s9 =	simm.s32 $0x64;
	s10 =	simm.s32 $0x2000  }
0x6: {  	s11 =	simm.s32 $0x5400;
	s12 =	simm.s32 $0x1;
	s13 =	simm.s32 $0x8800  }
0x7: {  	s14 =	simm.s32 $0x0;
	s20 =	simm.s32 $0x0;
	s6 =	sand.u32 $0x1, s5  }
0x8: {  	[smem:$0x7FF] =	sst s3;
	s5 =	sadd.s32 $0x400, s4;
	s7 =	ssub.s32 $0x2, s6  }
0x9: {  	s4 =	stileid.u32;
	_ =	strace $0x80000047;
	s8 =	sshrl.u32 s7, $0x1  }
0xa: {  	s31 =	sshll.u32 s4, $0xA;
	s6 =	sshll.u32 s6, $0x9;
	s7 =	ssub.s32 s7, s8  }
0xb: {  	s6 =	sor.u32 s6, s31;
	s8 =	simm.s32 $0x2;
	s7 =	smax.u32 s7, $0x1  }
.LBB2_1:
0xc: {  	s15 =	simm.s32 $0x0  }
.LBB2_2:
0xd: {  	s16 =	sshll.u32 s15, $0x5  }
0xe: {  	s16 =	sadd.s32 s6, s16  }
0xf: {  	s17 =	sshll.u32 s16, $0x5  }
0x10: {  	s18 =	sadd.s32 s5, s17;
	s17 =	simm.s32 $0x0  }
0x11: {  	[tilespmem:s17], [sflag:$0x2] =	stream.linear.gather [hbm4b:s18+s17], $0x2000, $0x38;
	[tilespmem:$0x9800] =	vst v63  }
0x12: {  	_ =	swait.ge [sflag:s8], $0x2000  }
0x13: {  	[sflag:s8] =	ssyncset.done $0x0  }
0x14: {  	[sflag:s8] =	ssyncadd.s32 $0xFFFFE000  }
.LBB2_3:
0x15: {  	s18 =	sshll.u32 s17, $0x8  }
0x16: {  	s18 =	sand.u32 $0x3FFFFF00, s18  }
0x17: {  	[tilespmem:s10], [sflag:$0x1] =	stream.indirect.gather [hbm4b:s1+s9], $0x80, s18, s9, $0xb8;
	[tilespmem:$0x9800] =	vst v63  }
0x18: {  	s18 =	sor.u32 $0x80, s18  }
0x19: {  	[tilespmem:s11], [sflag:$0x1] =	stream.indirect.gather [hbm4b:s1+s9], $0x80, s18, s9, $0xb8;
	[tilespmem:$0x9800] =	vst v63  }
0x1a: {  	_ =	swait.ge [sflag:s12], $0x3200  }
0x1b: {  	[sflag:s12] =	ssyncset.done $0x0  }
0x1c: {  	[sflag:s12] =	ssyncadd.s32 $0xFFFFCE00  }
0x1d: {  	_ =	swait.ge [sflag:s12], $0x3200  }
0x1e: {  	[sflag:s12] =	ssyncset.done $0x0  }
0x1f: {  	[sflag:s12] =	ssyncadd.s32 $0xFFFFCE00  }
0x20: {  	v0 =	vld [tilespmem:s20+$0x5470]  }
0x21: {  	v1 =	vld [tilespmem:s20+$0x2000]  }
0x22: {  	v2 =	vld [tilespmem:s20+$0x2010]  }
0x23: {  	v3 =	vld [tilespmem:s20+$0x2020]  }
0x24: {  	v7 =	vld [tilespmem:s20+$0x2030]  }
0x25: {  	v9 =	vld [tilespmem:s20+$0x2040]  }
0x26: {  	v10 =	vld [tilespmem:s20+$0x2050]  }
0x27: {  	v12 =	vld [tilespmem:s20+$0x2060]  }
0x28: {  	v13 =	vld [tilespmem:s20+$0x2070]  }
0x29: {  	v11 =	vimm.f32 $0.0e+00;
	v14 =	vld [tilespmem:s20+$0x5400]  }
0x2a: {  	v15 =	vld [tilespmem:s20+$0x5410];
	v4 =	vadd.f32 v0, v11  }
0x2b: {  	v8 =	vadd.f32 v1, v11;
	v5 =	vadd.f32 v2, v11  }
0x2c: {  	v16 =	vld [tilespmem:s20+$0x5420];
	v6 =	vadd.f32 v3, v11;
	v2 =	vadd.f32 v7, v11  }
0x2d: {  	v17 =	vld [tilespmem:s20+$0x5430];
	v7 =	vadd.f32 v9, v11;
	v3 =	vadd.f32 v10, v11  }
0x2e: {  	v18 =	vld [tilespmem:s20+$0x5440];
	v1 =	vadd.f32 v12, v11;
	v0 =	vadd.f32 v13, v11  }
0x2f: {  	v19 =	vld [tilespmem:s20+$0x5450];
	v10 =	vadd.f32 v14, v11;
	v9 =	vadd.f32 v15, v11;
	v12 =	vimm.f32 $0.0e+00  }
0x30: {  	s19 =	simm.s32 $0x400;
	s18 =	simm.s32 $0x80;
	v20 =	vld [tilespmem:s20+$0x5460];
	v15 =	vimm.f32 $0.0e+00;
	v13 =	vimm.f32 $0.0e+00;
	v14 =	vimm.f32 $0.0e+00  }
.LBB2_4:
0x31: {  	p0 =	sne.s32 s19, $0xC600;
	v21 =	vld [tilespmem:s18+$0x5470];
	v11 =	vadd.f32 v16, v11  }
0x32: {  	v16 =	vld [tilespmem:s18+$0x2000];
	v12 =	vadd.f32 v17, v12  }
0x33: {  	v17 =	vld [tilespmem:s18+$0x2010];
	v15 =	vadd.f32 v18, v15  }
0x34: {  	v18 =	vld [tilespmem:s18+$0x2020];
	v13 =	vadd.f32 v19, v13  }
0x35: {  	v19 =	vld [tilespmem:s18+$0x2030];
	v14 =	vadd.f32 v20, v14  }
0x36: {  	v20 =	vld [tilespmem:s18+$0x2040];
	v4 =	vadd.f32 v21, v4  }
0x37: {  	v8 =	vadd.f32 v16, v8;
	v16 =	vld [tilespmem:s18+$0x2050]  }
0x38: {  	v5 =	vadd.f32 v17, v5;
	v17 =	vld [tilespmem:s18+$0x2060]  }
0x39: {  	v6 =	vadd.f32 v18, v6;
	v18 =	vld [tilespmem:s18+$0x2070]  }
0x3a: {  	v2 =	vadd.f32 v19, v2;
	v19 =	vld [tilespmem:s18+$0x5400]  }
0x3b: {  	v7 =	vadd.f32 v20, v7;
	v20 =	vld [tilespmem:s18+$0x5410]  }
.Ltmp0:
0x3c: {  	v3 =	vadd.f32 v16, v3;
	v16 =	vld [tilespmem:s18+$0x5420];
	(pc) =	sbr.rel @p0 .LBB2_4-.Ltmp0, $4  }
0x3d: {  	v1 =	vadd.f32 v17, v1;
	v17 =	vld [tilespmem:s18+$0x5430]  }
0x3e: {  	v0 =	vadd.f32 v18, v0;
	v18 =	vld [tilespmem:s18+$0x5440]  }
0x3f: {  	v10 =	vadd.f32 v19, v10;
	v19 =	vld [tilespmem:s18+$0x5450]  }
0x40: {  	v9 =	vadd.f32 v20, v9;
	v20 =	vld [tilespmem:s18+$0x5460];
	s18 =	sshra.s32 s19, $0x2;
	s19 =	sadd.s32 $0x200, s19  }
0x41: {  	v21 =	vld [tilespmem:s18+$0x5470]  }
0x42: {  	v22 =	vld [tilespmem:s18+$0x2000]  }
0x43: {  	v23 =	vld [tilespmem:s18+$0x2010]  }
0x44: {  	v24 =	vld [tilespmem:s18+$0x2020]  }
0x45: {  	v25 =	vld [tilespmem:s18+$0x2030]  }
0x46: {  	v26 =	vld [tilespmem:s18+$0x2040]  }
0x47: {  	v27 =	vld [tilespmem:s18+$0x2050]  }
0x48: {  	v11 =	vadd.f32 v16, v11;
	v49 =	vld [tilespmem:s18+$0x2060]  }
0x49: {  	v50 =	vld [tilespmem:s18+$0x5400];
	v12 =	vadd.f32 v17, v12;
	v15 =	vadd.f32 v18, v15  }
0x4a: {  	v51 =	vld [tilespmem:s18+$0x5410];
	v13 =	vadd.f32 v19, v13;
	v14 =	vadd.f32 v20, v14  }
0x4b: {  	v52 =	vld [tilespmem:s18+$0x5420];
	v4 =	vadd.f32 v21, v4;
	v8 =	vadd.f32 v22, v8  }
0x4c: {  	v53 =	vld [tilespmem:s18+$0x5430];
	v5 =	vadd.f32 v23, v5;
	v6 =	vadd.f32 v24, v6  }
0x4d: {  	v54 =	vld [tilespmem:s18+$0x5440];
	v2 =	vadd.f32 v25, v2;
	v7 =	vadd.f32 v26, v7  }
0x4e: {  	v55 =	vld [tilespmem:s18+$0x5450];
	v3 =	vadd.f32 v27, v3;
	v10 =	vadd.f32 v50, v10  }
0x4f: {  	v57 =	vld [tilespmem:s18+$0x2070];
	v1 =	vadd.f32 v49, v1;
	v9 =	vadd.f32 v51, v9  }
0x50: {  	v56 =	vld [tilespmem:s18+$0x5460];
	v11 =	vadd.f32 v52, v11;
	v8 =	vadd.f32 v10, v8  }
0x51: {  	v58 =	vadd.f32 v53, v12;
	v5 =	vadd.f32 v9, v5  }
0x52: {  	s31 =	sshll.u32 s17, $0x7;
	v59 =	vadd.f32 v54, v15;
	v6 =	vadd.f32 v11, v6;
	v8 =	vmul.f32 $4.999999890e-03, v8  }
0x53: {  	s18 =	sand.u32 $0x3FFFFF80, s31;
	v60 =	vadd.f32 v55, v13;
	v2 =	vadd.f32 v58, v2;
	v5 =	vmul.f32 $4.999999890e-03, v5  }
0x54: {  	v0 =	vadd.f32 v57, v0;
	v7 =	vadd.f32 v59, v7;
	v6 =	vmul.f32 $4.999999890e-03, v6;
	[tilespmem:s18+$0x8800] =	vst v8  }
0x55: {  	s17 =	sadd.s32 $0x1, s17;
	v61 =	vadd.f32 v56, v14;
	v3 =	vadd.f32 v60, v3;
	v2 =	vmul.f32 $4.999999890e-03, v2;
	[tilespmem:s18+$0x8810] =	vst v5  }
0x56: {  	p0 =	sne.s32 s17, $0x20;
	v0 =	vadd.f32 v4, v0;
	v62 =	vmul.f32 $4.999999890e-03, v7;
	[tilespmem:s18+$0x8820] =	vst v6  }
.Ltmp1:
0x57: {  	v1 =	vadd.f32 v61, v1;
	v63 =	vmul.f32 $4.999999890e-03, v3;
	[tilespmem:s18+$0x8830] =	vst v2;
	(pc) =	sbr.rel @p0 .LBB2_3-.Ltmp1, $4  }
0x58: {  	v0 =	vmul.f32 $4.999999890e-03, v0;
	[tilespmem:s18+$0x8840] =	vst v62  }
0x59: {  	v1 =	vmul.f32 $4.999999890e-03, v1;
	[tilespmem:s18+$0x8850] =	vst v63  }
0x5a: {  	[tilespmem:s18+$0x8870] =	vst v0  }
0x5b: {  	[tilespmem:s18+$0x8860] =	vst v1  }
0x5c: {  	s15 =	sadd.s32 $0x1, s15  }
0x5d: {  	s16 =	sshll.u32 s16, $0x4;
	p0 =	sne.s32 s15, $0x10  }
.Ltmp2:
0x5e: {  	s16 =	sadd.s32 s2, s16;
	(pc) =	sbr.rel @p0 .LBB2_2-.Ltmp2, $4  }
0x5f: {  	[hbm4b:s16+s3] =	stream.linear.scatter [tilespmem:s13], [sflag:$0x2], $0x1000, $0x38;
	[tilespmem:$0x9800] =	vst v63  }
0x60: {  	_ =	swait.ge [sflag:s8], $0x1000  }
0x61: {  	[sflag:s8] =	ssyncset.done $0x0  }
0x62: {  	[sflag:s8] =	ssyncadd.s32 $0xFFFFF000  }
0x63: {  	s14 =	sadd.s32 $0x1, s14  }
0x64: {  	p0 =	sne.s32 s14, s7  }
.Ltmp3:
0x65: {  	_ = 	snop;
	(pc) =	sbr.rel @p0 .LBB2_1-.Ltmp3, $1  }
0x66: {  	_ =	sdelay $0x3  }
0x67: {  	_ =	sfence.sel $0x180000  }
0x68: {  	[bflag:$0x0] =	sbarrier.arrive $0xFFFF  }
0x69: {  	p0 =	sne.s32 s4, $0x0;
	_ =	strace $0x90000047  }
0x6a: {  	s0 =	sadd.s32 @!p0 $0x100000, s0;
	[bflag:$0x2] =	sbarrier.arrive $0xFFFF  }
0x6b: {  	[sflag:s0] =	ssyncadd.tile.s32 @!p0 $0x1;
	_ =	shalt  }
.Lfunc_end2:
_tile_overlayer_lowered:
.L_overlay_start_2:
0x6c: {  	(tag) =	ssettag $0x2  }
0x6d: {  	s0 =	rddreg [dreg:$0x0];
	s2 =	stileid.u32  }
0x6e: {  	s1 =	rddreg [dreg:$0x1];
	p0 =	sne.s32 s2, $0x0  }
0x6f: {  	s3 =	rddreg [dreg:$0x2];
	[bflag:$0x3] =	sbarrier.arrive $0xFFFF;
	s2 =	simm.s32 @!p0 $0x1C02  }
0x70: {  	[timem:s3], [sflag:s2] =	dma.local @!p0 [hbm:s0], s1  }
0x71: {  	s0 =	simm.s32 @!p0 $0x2  }
0x72: {  	_ =	swait.ge @!p0 [sflag:s0], s1  }
0x73: {  	s1 =	ssub.s32 @!p0 $0x0, s1;
	[sflag:s0] =	ssyncset.done @!p0 $0x0  }
0x74: {  	[sflag:s0] =	ssyncadd.s32 @!p0 s1  }
0x75: {  	[bflag:$0x3] =	sbarrier.arrive $0xFFFF  }
0x76: {  	_ =	shalt  }

</sc_bundles>
